<compile_context>
chip_gen: v7x
topology: tpu7x:2x2x1
jax: 0.10.2.dev20260603
libtpu: 0.0.44.dev20260713+nightly
codegen_flags: <defaults>
</compile_context>

<pallas_src>
import functools

import jax
import jax.numpy as jnp
from jax import lax
from jax.experimental import pallas as pl
from jax.experimental.pallas import tpu as pltpu
from jax.experimental.pallas import tpu_sc as plsc

B = 1024
N = 100000
D = 64
H = 512

NP = N // 2
MB = 2000
GRID = NP // MB


def _argmin_body(codes_ref, table_ref, idx_out_ref, best_val, best_idx,
                 s_buf):
    step = pl.program_id(0)
    q = codes_ref[...]

    s = s_buf[...]
    bmin = jnp.min(s, axis=0, keepdims=True)
    pair = (step - 1) * MB + lax.broadcasted_iota(jnp.int32, (MB, 1), 0)
    bidx = jnp.min(jnp.where(s == bmin, pair, jnp.int32(2**30)),
                   axis=0, keepdims=True)

    @pl.when(step == 1)
    def _():
        best_val[...] = bmin
        best_idx[...] = bidx

    @pl.when(step > 1)
    def _():
        prev_val = best_val[...]
        prev_idx = best_idx[...]
        pred = bmin < prev_val
        best_val[...] = jnp.where(pred, bmin, prev_val)
        best_idx[...] = jnp.where(pred, bidx, prev_idx)

    blk = table_ref[...]

    def half_scores(h):
        x = blk[:, h * D:(h + 1) * D]
        norm = 0.5 * jnp.sum(x * x, axis=1, keepdims=True)
        dots = lax.dot_general(x, q, (((1,), (1,)), ((), ())),
                               preferred_element_type=jnp.float32)
        return norm - dots

    s_buf[...] = jnp.minimum(half_scores(0), half_scores(1))

    @pl.when(step == GRID)
    def _():
        idx_out_ref[...] = best_idx[...]


def _nearest_pairs(codes, table2):
    return pl.pallas_call(
        _argmin_body,
        grid=(GRID + 1,),
        in_specs=[
            pl.BlockSpec((B, D), lambda i: (0, 0)),
            pl.BlockSpec((MB, 2 * D), lambda i: (jnp.minimum(i, GRID - 1), 0)),
        ],
        out_specs=pl.BlockSpec((1, B), lambda i: (0, 0)),
        out_shape=jax.ShapeDtypeStruct((1, B), jnp.int32),
        scratch_shapes=[
            pltpu.VMEM((1, B), jnp.float32),
            pltpu.VMEM((1, B), jnp.int32),
            pltpu.VMEM((MB, B), jnp.float32),
        ],
    )(codes, table2)


def _gather_rows(table2, idx):
    info = plsc.get_sparse_core_info()
    nw = info.num_cores * info.num_subcores
    b_per_w = B // nw
    mesh = plsc.VectorSubcoreMesh(core_axis_name="c", subcore_axis_name="s")

    @functools.partial(
        pl.kernel,
        mesh=mesh,
        out_type=jax.ShapeDtypeStruct((B, 2 * D), jnp.float32),
        scratch_types=[
            pltpu.VMEM((b_per_w,), jnp.int32),
            pltpu.VMEM((b_per_w, 2 * D), jnp.float32),
            pltpu.SemaphoreType.DMA,
        ],
    )
    def gather(table_hbm, idx_hbm, out_hbm, idx_v, rows_v, sem):
        wid = lax.axis_index("s") * info.num_cores + lax.axis_index("c")
        base = wid * b_per_w
        pltpu.sync_copy(idx_hbm.at[0, pl.ds(base, b_per_w)], idx_v)
        pltpu.async_copy(table_hbm.at[idx_v], rows_v, sem).wait()
        pltpu.sync_copy(rows_v, out_hbm.at[pl.ds(base, b_per_w)])

    return gather(table2, idx)


def _mlp_body(pair_ref, codes_ref,
              W_in, b_in, W_h1, b_h1, W_h2, b_h2, W_h3, b_h3,
              W_si2, b_si2, W_si3, b_si3, W_s1o, b_s1o, W_s2o, b_s2o,
              W_mu, b_mu, W_s, b_s,
              mu_ref, logstd_ref):
    def fc(a, w, b):
        return jnp.tanh(
            jnp.dot(a, w[...], preferred_element_type=jnp.float32) + b[...])

    pairs = pair_ref[...]
    q = codes_ref[...]
    e, o = pairs[:, :D], pairs[:, D:]
    de = e - q
    do_ = o - q
    diff = de * de - do_ * do_
    dd = jnp.dot(diff, jnp.ones((D, 128), jnp.float32),
                 preferred_element_type=jnp.float32)
    x = jnp.where(dd[:, :1] <= 0.0, e, o)
    i = fc(x, W_in, b_in)
    _h1 = fc(i, W_h1, b_h1)
    _s2 = fc(_h1, W_si2, b_si2)
    _s3 = fc(_h1, W_si3, b_si3)
    _h2 = fc(_h1 + _s2, W_h2, b_h2)
    _o1 = fc(_h1, W_s1o, b_s1o)
    _o2 = fc(_h2, W_s2o, b_s2o)
    _o3 = fc(_h2 + _s3, W_h3, b_h3)
    out = _o1 + _o2 + _o3
    mu_ref[...] = (jnp.dot(out, W_mu[...], preferred_element_type=jnp.float32)
                   + b_mu[...])
    logstd_ref[...] = (jnp.dot(out, W_s[...], preferred_element_type=jnp.float32)
                       + b_s[...])


def _mlp(pairs, codes, *weights):
    return pl.pallas_call(
        _mlp_body,
        out_shape=(
            jax.ShapeDtypeStruct((B, D), jnp.float32),
            jax.ShapeDtypeStruct((B, D), jnp.float32),
        ),
    )(pairs, codes, *weights)


def kernel(codes, codes_table, W_in, b_in, W_h1, b_h1, W_h2, b_h2, W_h3, b_h3,
           W_si2, b_si2, W_si3, b_si3, W_s1o, b_s1o, W_s2o, b_s2o,
           W_mu, b_mu, W_s, b_s):
    table2 = codes_table.reshape(NP, 2 * D)
    idx = _nearest_pairs(codes, table2)
    pairs = _gather_rows(table2, idx)
    mu, logstd = _mlp(pairs, codes,
                      W_in, b_in, W_h1, b_h1, W_h2, b_h2, W_h3, b_h3,
                      W_si2, b_si2, W_si3, b_si3, W_s1o, b_s1o, W_s2o, b_s2o,
                      W_mu, b_mu, W_s, b_s)
    return (mu, logstd)

# --- scband reference (transcript-rebuilt; emitter-appended) ---
"""Pipeline reference for scband-t-ptprior-network-42133629174458 (READ-ONLY COPY).

The authoritative reference and input builder live on the scoring server;
editing this copy changes nothing except your own understanding.
"""

import jax, jax.numpy as jnp
import numpy as np

B = 1024
N = 100000
D = 64
H = 512
K = 5


def _linear_init(k, fin, fout):
    k1, k2 = jax.random.split(k)
    s = 1.0 / np.sqrt(fin)
    W = jax.random.uniform(k1, (fin, fout), minval=-s, maxval=s).astype(jnp.float32)
    b = jax.random.uniform(k2, (fout,), minval=-s, maxval=s).astype(jnp.float32)
    return W, b


def setup_inputs(seed: int = 0) -> dict:
    key = jax.random.key(seed)
    ks = jax.random.split(key, 16)
    inp = {}
    inp["codes"] = jax.random.normal(ks[0], (B, D), dtype=jnp.float32)
    inp["codes_table"] = jax.random.normal(ks[1], (N, D), dtype=jnp.float32)
    layers = [("W_in", "b_in", D, H), ("W_h1", "b_h1", H, H), ("W_h2", "b_h2", H, H),
              ("W_h3", "b_h3", H, H), ("W_si2", "b_si2", H, H), ("W_si3", "b_si3", H, H),
              ("W_s1o", "b_s1o", H, H), ("W_s2o", "b_s2o", H, H), ("W_mu", "b_mu", H, D),
              ("W_s", "b_s", H, D)]
    for i, (wn, bn, fin, fout) in enumerate(layers):
        W, b = _linear_init(ks[2 + i], fin, fout)
        inp[wn] = W
        inp[bn] = b
    return inp


def _encode(prev, W_in, b_in, W_h1, b_h1, W_h2, b_h2, W_h3, b_h3, W_si2, b_si2,
            W_si3, b_si3, W_s1o, b_s1o, W_s2o, b_s2o, W_mu, b_mu, W_s, b_s):
    i = jnp.tanh(prev @ W_in + b_in)
    _h1 = jnp.tanh(i @ W_h1 + b_h1)
    _s2 = jnp.tanh(_h1 @ W_si2 + b_si2)
    _s3 = jnp.tanh(_h1 @ W_si3 + b_si3)
    _h2 = jnp.tanh((_h1 + _s2) @ W_h2 + b_h2)
    _o1 = jnp.tanh(_h1 @ W_s1o + b_s1o)
    _o2 = jnp.tanh(_h2 @ W_s2o + b_s2o)
    _o3 = jnp.tanh((_h2 + _s3) @ W_h3 + b_h3)
    out = _o1 + _o2 + _o3
    mu = out @ W_mu + b_mu
    logstd = out @ W_s + b_s
    return mu, logstd


def reference(codes, codes_table, W_in, b_in, W_h1, b_h1, W_h2, b_h2, W_h3, b_h3,
              W_si2, b_si2, W_si3, b_si3, W_s1o, b_s1o, W_s2o, b_s2o, W_mu, b_mu, W_s, b_s):
    # kneighbors: Euclidean distance of every training code to each query, smallest-k
    d2 = (jnp.sum(codes_table ** 2, axis=1)[None, :]
          - 2.0 * (codes @ codes_table.T)
          + jnp.sum(codes ** 2, axis=1)[:, None])
    dists = jnp.sqrt(jnp.maximum(d2, 0.0))
    neg_d, neighbors = jax.lax.top_k(-dists, K)  # smallest-k distances
    # eval-mode neighbor pick: chosen_neighbor_index = 0 (nearest)
    chosen = neighbors[:, 0]
    prev = jnp.take(codes_table, chosen, axis=0)
    prev = jax.lax.stop_gradient(prev)  # codes table is a non-trainable buffer
    mu, logstd = _encode(prev, W_in, b_in, W_h1, b_h1, W_h2, b_h2, W_h3, b_h3,
                         W_si2, b_si2, W_si3, b_si3, W_s1o, b_s1o, W_s2o, b_s2o,
                         W_mu, b_mu, W_s, b_s)
    return (mu, logstd)

if __name__ == "__main__":
    import jax
    _d = setup_inputs()
    print(jax.jit(kernel)(*tuple(_d.values())))

</pallas_src>

<mosaic_0001>
#map = affine_map<(d0, d1) -> (0, 0)>
module attributes {stable_mosaic.version = 14 : i64} {
  func.func @gather(%arg0: i32, %arg1: i32, %arg2: memref<50000x128xf32, #tpu.memory_space<hbm>>, %arg3: memref<1x1024xi32, #tpu.memory_space<hbm>>, %arg4: memref<1024x128xf32, #tpu.memory_space<hbm>>, %arg5: memref<32xi32, #tpu.memory_space<vmem>>, %arg6: memref<32x128xf32, #tpu.memory_space<vmem>>, %arg7: memref<!tpu.dma_semaphore, #tpu.memory_space<semaphore_mem>>) attributes {dimension_semantics = [#tpu.dimension_semantics<core_parallel>, #tpu.dimension_semantics<subcore_parallel>], iteration_bounds = array<i64: 2, 16>, scalar_prefetch = 0 : i64, scratch_operands = 3 : i64, tpu.core_type = #tpu.core_type<sc_vector_subcore>, window_params = [{transform_indices = #map}, {transform_indices = #map}, {transform_indices = #map}]} {
    %mul3A = arith.constant 2 : i32
    %mul3A_0 = arith.muli %arg1, %mul3A : i32
    %add3A = arith.addi %mul3A_0, %arg0 : i32
    %mul3A_1 = arith.constant 32 : i32
    %mul3A_2 = arith.muli %add3A, %mul3A_1 : i32
    %run_scoped3A = arith.constant 0 : i32
    "tpu.region"() ({
      %run_scoped3A_7 = tpu.sem_alloc : memref<!tpu.dma_semaphore, #tpu.memory_space<semaphore_mem>>
      %dma_start3A_8 = tpu.memref_slice %arg3[%run_scoped3A, %mul3A_2] : memref<1x1024xi32, #tpu.memory_space<hbm>> -> memref<1x32xi32, #tpu.memory_space<hbm>>
      %dma_start3A_9 = tpu.memref_squeeze %dma_start3A_8 : memref<1x32xi32, #tpu.memory_space<hbm>> -> memref<32xi32, #tpu.memory_space<hbm>>
      %dma_start3A_10 = tpu.memref_slice %arg3[%run_scoped3A, %mul3A_2] : memref<1x1024xi32, #tpu.memory_space<hbm>> -> memref<1x32xi32, #tpu.memory_space<hbm>>
      %dma_start3A_11 = tpu.memref_squeeze %dma_start3A_10 : memref<1x32xi32, #tpu.memory_space<hbm>> -> memref<32xi32, #tpu.memory_space<hbm>>
      tpu.enqueue_dma source(%dma_start3A_11 : memref<32xi32, #tpu.memory_space<hbm>>) target(%arg5 : memref<32xi32, #tpu.memory_space<vmem>>) target_semaphore(%run_scoped3A_7 : memref<!tpu.dma_semaphore, #tpu.memory_space<semaphore_mem>>)
      %dma_wait3A_12 = tpu.memref_slice %arg3[%run_scoped3A, %mul3A_2] : memref<1x1024xi32, #tpu.memory_space<hbm>> -> memref<1x32xi32, #tpu.memory_space<hbm>>
      %dma_wait3A_13 = tpu.memref_squeeze %dma_wait3A_12 : memref<1x32xi32, #tpu.memory_space<hbm>> -> memref<32xi32, #tpu.memory_space<hbm>>
      %dma_wait3A_14 = tpu.memref_slice %arg3[%run_scoped3A, %mul3A_2] : memref<1x1024xi32, #tpu.memory_space<hbm>> -> memref<1x32xi32, #tpu.memory_space<hbm>>
      %dma_wait3A_15 = tpu.memref_squeeze %dma_wait3A_14 : memref<1x32xi32, #tpu.memory_space<hbm>> -> memref<32xi32, #tpu.memory_space<hbm>>
      tpu.wait_dma2 semaphore(%run_scoped3A_7 : memref<!tpu.dma_semaphore, #tpu.memory_space<semaphore_mem>>) src(%dma_wait3A_15 : memref<32xi32, #tpu.memory_space<hbm>>) dst(%arg5 : memref<32xi32, #tpu.memory_space<vmem>>)
      tpu.yield
    }) : () -> ()
    %dma_start3A = arith.constant 0 : i32
    %dma_start3A_3 = arith.constant 0 : i32
    %dma_start3A_4 = tpu.memref_slice %arg2[%dma_start3A, %dma_start3A_3] : memref<50000x128xf32, #tpu.memory_space<hbm>> -> memref<50000x128xf32, #tpu.memory_space<hbm>>
    tpu.enqueue_indirect_dma source(%dma_start3A_4 : memref<50000x128xf32, #tpu.memory_space<hbm>>) target(%arg6 : memref<32x128xf32, #tpu.memory_space<vmem>>) offsets(%arg5 : memref<32xi32, #tpu.memory_space<vmem>>) semaphore(%arg7 : memref<!tpu.dma_semaphore, #tpu.memory_space<semaphore_mem>>)
    %dma_wait3A = arith.constant 0 : i32
    %dma_wait3A_5 = arith.constant 0 : i32
    %dma_wait3A_6 = tpu.memref_slice %arg2[%dma_wait3A, %dma_wait3A_5] : memref<50000x128xf32, #tpu.memory_space<hbm>> -> memref<50000x128xf32, #tpu.memory_space<hbm>>
    tpu.wait_indirect_dma semaphore(%arg7 : memref<!tpu.dma_semaphore, #tpu.memory_space<semaphore_mem>>) src(%dma_wait3A_6 : memref<50000x128xf32, #tpu.memory_space<hbm>>) dst(%arg6 : memref<32x128xf32, #tpu.memory_space<vmem>>)
    "tpu.region"() ({
      %run_scoped3A_7 = tpu.sem_alloc : memref<!tpu.dma_semaphore, #tpu.memory_space<semaphore_mem>>
      %dma_start3A_8 = arith.constant 0 : i32
      %dma_start3A_9 = tpu.memref_slice %arg4[%mul3A_2, %dma_start3A_8] : memref<1024x128xf32, #tpu.memory_space<hbm>> -> memref<32x128xf32, #tpu.memory_space<hbm>>
      %dma_start3A_10 = arith.constant 0 : i32
      %dma_start3A_11 = tpu.memref_slice %arg4[%mul3A_2, %dma_start3A_10] : memref<1024x128xf32, #tpu.memory_space<hbm>> -> memref<32x128xf32, #tpu.memory_space<hbm>>
      tpu.enqueue_dma source(%arg6 : memref<32x128xf32, #tpu.memory_space<vmem>>) target(%dma_start3A_11 : memref<32x128xf32, #tpu.memory_space<hbm>>) target_semaphore(%run_scoped3A_7 : memref<!tpu.dma_semaphore, #tpu.memory_space<semaphore_mem>>)
      %dma_wait3A_12 = arith.constant 0 : i32
      %dma_wait3A_13 = tpu.memref_slice %arg4[%mul3A_2, %dma_wait3A_12] : memref<1024x128xf32, #tpu.memory_space<hbm>> -> memref<32x128xf32, #tpu.memory_space<hbm>>
      %dma_wait3A_14 = arith.constant 0 : i32
      %dma_wait3A_15 = tpu.memref_slice %arg4[%mul3A_2, %dma_wait3A_14] : memref<1024x128xf32, #tpu.memory_space<hbm>> -> memref<32x128xf32, #tpu.memory_space<hbm>>
      tpu.wait_dma2 semaphore(%run_scoped3A_7 : memref<!tpu.dma_semaphore, #tpu.memory_space<semaphore_mem>>) src(%arg6 : memref<32x128xf32, #tpu.memory_space<vmem>>) dst(%dma_wait3A_15 : memref<32x128xf32, #tpu.memory_space<hbm>>)
      tpu.yield
    }) : () -> ()
    return
  }
}

module attributes {stable_mosaic.version = 14 : i64} {
  func.func @_argmin_body(%arg0: i32, %arg1: memref<1024x64xf32, #tpu.memory_space<vmem>>, %arg2: memref<2000x128xf32, #tpu.memory_space<vmem>>, %arg3: memref<1x1024xi32, #tpu.memory_space<vmem>>, %arg4: memref<1x1024xf32, #tpu.memory_space<vmem>>, %arg5: memref<1x1024xi32, #tpu.memory_space<vmem>>, %arg6: memref<2000x1024xf32, #tpu.memory_space<vmem>>) attributes {dimension_semantics = [#tpu.dimension_semantics<arbitrary>], iteration_bounds = array<i64: 26>, scalar_prefetch = 0 : i64, scratch_operands = 3 : i64, tpu.core_type = #tpu.core_type<tc>, window_params = [{pipeline_mode = #tpu.pipeline_mode<synchronous>, transform_indices = @transform_0, window_bounds = array<i64: 1024, 64>}, {transform_indices = @transform_1, window_bounds = array<i64: 2000, 128>}, {pipeline_mode = #tpu.pipeline_mode<synchronous>, transform_indices = @transform_2, window_bounds = array<i64: 1, 1024>}]} {
    %get3A = arith.constant 0 : index
    %get3A_0 = arith.constant 0 : index
    %get3A_1 = vector.load %arg1[%get3A, %get3A_0] : memref<1024x64xf32, #tpu.memory_space<vmem>>, vector<1024x64xf32>
    %get3A_2 = arith.constant 0 : index
    %get3A_3 = arith.constant 0 : index
    %get3A_4 = vector.load %arg6[%get3A_2, %get3A_3] : memref<2000x1024xf32, #tpu.memory_space<vmem>>, vector<2000x1024xf32>
    %reduce_min3A = arith.constant dense<0x7F800000> : vector<1024xf32>
    %reduce_min3A_5 = vector.multi_reduction <minimumf>, %get3A_4, %reduce_min3A [0] : vector<2000x1024xf32> to vector<1024xf32>
    %broadcast_in_dim3A = vector.shape_cast %reduce_min3A_5 : vector<1024xf32> to vector<1x1024xf32>
    %sub3A = arith.constant 1 : i32
    %sub3A_6 = arith.subi %arg0, %sub3A : i32
    %mul3A = arith.constant 2000 : i32
    %mul3A_7 = arith.muli %sub3A_6, %mul3A : i32
    %iota3A = tpu.iota {dimensions = array<i32: 0>} : vector<2000x1xi32>
    %add3A = vector.broadcast %mul3A_7 : i32 to vector<2000x1xi32>
    %add3A_8 = arith.addi %add3A, %iota3A : vector<2000x1xi32>
    %eq3A = vector.broadcast %broadcast_in_dim3A : vector<1x1024xf32> to vector<2000x1024xf32>
    %eq3A_9 = arith.cmpf oeq, %get3A_4, %eq3A : vector<2000x1024xf32>
    %jit3A = arith.constant 1073741824 : i32
    %broadcast_in_dim3A_10 = vector.shape_cast %add3A_8 : vector<2000x1xi32> to vector<2000x1xi32>
    %broadcast_in_dim3A_11 = vector.broadcast %broadcast_in_dim3A_10 : vector<2000x1xi32> to vector<2000x1024xi32>
    %broadcast_in_dim3A_12 = vector.broadcast %jit3A : i32 to vector<2000x1024xi32>
    %select_n3A = arith.select %eq3A_9, %broadcast_in_dim3A_11, %broadcast_in_dim3A_12 : vector<2000x1024xi1>, vector<2000x1024xi32>
    %reduce_min3A_13 = arith.constant dense<2147483647> : vector<1024xi32>
    %reduce_min3A_14 = vector.multi_reduction <minsi>, %select_n3A, %reduce_min3A_13 [0] : vector<2000x1024xi32> to vector<1024xi32>
    %broadcast_in_dim3A_15 = vector.shape_cast %reduce_min3A_14 : vector<1024xi32> to vector<1x1024xi32>
    %eq3A_16 = arith.constant 1 : i32
    %eq3A_17 = arith.cmpi eq, %arg0, %eq3A_16 : i32
    %convert_element_type3A = arith.extui %eq3A_17 : i1 to i32
    %cond3A = arith.constant 0 : i32
    %cond3A_18 = arith.cmpi ne, %convert_element_type3A, %cond3A : i32
    scf.if %cond3A_18 {
      %swap3A_54 = arith.constant 0 : index
      %swap3A_55 = arith.constant 0 : index
      %swap3A_56 = vector.load %arg4[%swap3A_54, %swap3A_55] : memref<1x1024xf32, #tpu.memory_space<vmem>>, vector<1x1024xf32>
      tpu.vector_store %arg4[%swap3A_54, %swap3A_55], %broadcast_in_dim3A {strides = array<i32>} : memref<1x1024xf32, #tpu.memory_space<vmem>>, vector<1x1024xf32>,
      %swap3A_57 = arith.constant 0 : index
      %swap3A_58 = arith.constant 0 : index
      %swap3A_59 = vector.load %arg5[%swap3A_57, %swap3A_58] : memref<1x1024xi32, #tpu.memory_space<vmem>>, vector<1x1024xi32>
      tpu.vector_store %arg5[%swap3A_57, %swap3A_58], %broadcast_in_dim3A_15 {strides = array<i32>} : memref<1x1024xi32, #tpu.memory_space<vmem>>, vector<1x1024xi32>,
    } else {
    }
    %gt3A = arith.constant 1 : i32
    %gt3A_19 = arith.cmpi sgt, %arg0, %gt3A : i32
    %convert_element_type3A_20 = arith.extui %gt3A_19 : i1 to i32
    %cond3A_21 = arith.constant 0 : i32
    %cond3A_22 = arith.cmpi ne, %convert_element_type3A_20, %cond3A_21 : i32
    scf.if %cond3A_22 {
      %get3A_54 = arith.constant 0 : index
      %get3A_55 = arith.constant 0 : index
      %get3A_56 = vector.load %arg4[%get3A_54, %get3A_55] : memref<1x1024xf32, #tpu.memory_space<vmem>>, vector<1x1024xf32>
      %get3A_57 = arith.constant 0 : index
      %get3A_58 = arith.constant 0 : index
      %get3A_59 = vector.load %arg5[%get3A_57, %get3A_58] : memref<1x1024xi32, #tpu.memory_space<vmem>>, vector<1x1024xi32>
      %lt3A = arith.cmpf olt, %broadcast_in_dim3A, %get3A_56 : vector<1x1024xf32>
      %select_n3A_60 = arith.select %lt3A, %broadcast_in_dim3A, %get3A_56 : vector<1x1024xi1>, vector<1x1024xf32>
      %swap3A_61 = arith.constant 0 : index
      %swap3A_62 = arith.constant 0 : index
      %swap3A_63 = vector.load %arg4[%swap3A_61, %swap3A_62] : memref<1x1024xf32, #tpu.memory_space<vmem>>, vector<1x1024xf32>
      tpu.vector_store %arg4[%swap3A_61, %swap3A_62], %select_n3A_60 {strides = array<i32>} : memref<1x1024xf32, #tpu.memory_space<vmem>>, vector<1x1024xf32>,
      %select_n3A_64 = arith.select %lt3A, %broadcast_in_dim3A_15, %get3A_59 : vector<1x1024xi1>, vector<1x1024xi32>
      %swap3A_65 = arith.constant 0 : index
      %swap3A_66 = arith.constant 0 : index
      %swap3A_67 = vector.load %arg5[%swap3A_65, %swap3A_66] : memref<1x1024xi32, #tpu.memory_space<vmem>>, vector<1x1024xi32>
      tpu.vector_store %arg5[%swap3A_65, %swap3A_66], %select_n3A_64 {strides = array<i32>} : memref<1x1024xi32, #tpu.memory_space<vmem>>, vector<1x1024xi32>,
    } else {
    }
    %get3A_23 = arith.constant 0 : index
    %get3A_24 = arith.constant 0 : index
    %get3A_25 = vector.load %arg2[%get3A_23, %get3A_24] : memref<2000x128xf32, #tpu.memory_space<vmem>>, vector<2000x128xf32>
    %slice3A = vector.extract_strided_slice %get3A_25 {offsets = [0, 0], sizes = [2000, 64], strides = [1, 1]} : vector<2000x128xf32> to vector<2000x64xf32>
    %mul3A_26 = arith.mulf %slice3A, %slice3A : vector<2000x64xf32>
    %reduce_sum3A = arith.constant dense<0.000000e+00> : vector<2000xf32>
    %reduce_sum3A_27 = vector.multi_reduction <add>, %mul3A_26, %reduce_sum3A [1] : vector<2000x64xf32> to vector<2000xf32>
    %broadcast_in_dim3A_28 = vector.shape_cast %reduce_sum3A_27 : vector<2000xf32> to vector<2000x1xf32>
    %mul3A_29 = arith.constant 5.000000e-01 : f32
    %mul3A_30 = vector.broadcast %mul3A_29 : f32 to vector<2000x1xf32>
    %mul3A_31 = arith.mulf %mul3A_30, %broadcast_in_dim3A_28 : vector<2000x1xf32>
    %dot_general3A = arith.constant dense<0.000000e+00> : vector<2000x1024xf32>
    %dot_general3A_32 = tpu.matmul %slice3A, %get3A_1, %dot_general3A {dimension_numbers = #tpu.dot_dimension_numbers<[1], [1], [0], [0], [0, 0, 1, 0], [], []>, transpose_lhs_hint = false} : vector<2000x64xf32>, vector<1024x64xf32>, vector<2000x1024xf32> -> vector<2000x1024xf32>
    %sub3A_33 = vector.broadcast %mul3A_31 : vector<2000x1xf32> to vector<2000x1024xf32>
    %sub3A_34 = arith.subf %sub3A_33, %dot_general3A_32 : vector<2000x1024xf32>
    %slice3A_35 = vector.extract_strided_slice %get3A_25 {offsets = [0, 64], sizes = [2000, 64], strides = [1, 1]} : vector<2000x128xf32> to vector<2000x64xf32>
    %mul3A_36 = arith.mulf %slice3A_35, %slice3A_35 : vector<2000x64xf32>
    %reduce_sum3A_37 = arith.constant dense<0.000000e+00> : vector<2000xf32>
    %reduce_sum3A_38 = vector.multi_reduction <add>, %mul3A_36, %reduce_sum3A_37 [1] : vector<2000x64xf32> to vector<2000xf32>
    %broadcast_in_dim3A_39 = vector.shape_cast %reduce_sum3A_38 : vector<2000xf32> to vector<2000x1xf32>
    %mul3A_40 = arith.constant 5.000000e-01 : f32
    %mul3A_41 = vector.broadcast %mul3A_40 : f32 to vector<2000x1xf32>
    %mul3A_42 = arith.mulf %mul3A_41, %broadcast_in_dim3A_39 : vector<2000x1xf32>
    %dot_general3A_43 = arith.constant dense<0.000000e+00> : vector<2000x1024xf32>
    %dot_general3A_44 = tpu.matmul %slice3A_35, %get3A_1, %dot_general3A_43 {dimension_numbers = #tpu.dot_dimension_numbers<[1], [1], [0], [0], [0, 0, 1, 0], [], []>, transpose_lhs_hint = false} : vector<2000x64xf32>, vector<1024x64xf32>, vector<2000x1024xf32> -> vector<2000x1024xf32>
    %sub3A_45 = vector.broadcast %mul3A_42 : vector<2000x1xf32> to vector<2000x1024xf32>
    %sub3A_46 = arith.subf %sub3A_45, %dot_general3A_44 : vector<2000x1024xf32>
    %min3A = arith.minimumf %sub3A_34, %sub3A_46 : vector<2000x1024xf32>
    %swap3A = arith.constant 0 : index
    %swap3A_47 = arith.constant 0 : index
    %swap3A_48 = vector.load %arg6[%swap3A, %swap3A_47] : memref<2000x1024xf32, #tpu.memory_space<vmem>>, vector<2000x1024xf32>
    tpu.vector_store %arg6[%swap3A, %swap3A_47], %min3A {strides = array<i32>} : memref<2000x1024xf32, #tpu.memory_space<vmem>>, vector<2000x1024xf32>,
    %eq3A_49 = arith.constant 25 : i32
    %eq3A_50 = arith.cmpi eq, %arg0, %eq3A_49 : i32
    %convert_element_type3A_51 = arith.extui %eq3A_50 : i1 to i32
    %cond3A_52 = arith.constant 0 : i32
    %cond3A_53 = arith.cmpi ne, %convert_element_type3A_51, %cond3A_52 : i32
    scf.if %cond3A_53 {
      %get3A_54 = arith.constant 0 : index
      %get3A_55 = arith.constant 0 : index
      %get3A_56 = vector.load %arg5[%get3A_54, %get3A_55] : memref<1x1024xi32, #tpu.memory_space<vmem>>, vector<1x1024xi32>
      %swap3A_57 = arith.constant 0 : index
      %swap3A_58 = arith.constant 0 : index
      %swap3A_59 = vector.load %arg3[%swap3A_57, %swap3A_58] : memref<1x1024xi32, #tpu.memory_space<vmem>>, vector<1x1024xi32>
      tpu.vector_store %arg3[%swap3A_57, %swap3A_58], %get3A_56 {strides = array<i32>} : memref<1x1024xi32, #tpu.memory_space<vmem>>, vector<1x1024xi32>,
    } else {
    }
    return
  }
  func.func @transform_0(%arg0: i32) -> (i32, i32) {
    %c0_i32 = arith.constant 0 : i32
    %c0_i32_0 = arith.constant 0 : i32
    %c0_i32_1 = arith.constant 0 : i32
    return %c0_i32, %c0_i32_0 : i32, i32
  }
  func.func @transform_1(%arg0: i32) -> (i32, i32) {
    %min3A = arith.constant 24 : i32
    %min3A_0 = arith.minsi %arg0, %min3A : i32
    %c0_i32 = arith.constant 0 : i32
    %c0_i32_1 = arith.constant 0 : i32
    return %min3A_0, %c0_i32 : i32, i32
  }
  func.func @transform_2(%arg0: i32) -> (i32, i32) {
    %c0_i32 = arith.constant 0 : i32
    %c0_i32_0 = arith.constant 0 : i32
    %c0_i32_1 = arith.constant 0 : i32
    return %c0_i32, %c0_i32_0 : i32, i32
  }
}

module attributes {stable_mosaic.version = 14 : i64} {
  func.func @_mlp_body(%arg0: memref<1024x128xf32, #tpu.memory_space<vmem>>, %arg1: memref<1024x64xf32, #tpu.memory_space<vmem>>, %arg2: memref<64x512xf32, #tpu.memory_space<vmem>>, %arg3: memref<512xf32, #tpu.memory_space<vmem>>, %arg4: memref<512x512xf32, #tpu.memory_space<vmem>>, %arg5: memref<512xf32, #tpu.memory_space<vmem>>, %arg6: memref<512x512xf32, #tpu.memory_space<vmem>>, %arg7: memref<512xf32, #tpu.memory_space<vmem>>, %arg8: memref<512x512xf32, #tpu.memory_space<vmem>>, %arg9: memref<512xf32, #tpu.memory_space<vmem>>, %arg10: memref<512x512xf32, #tpu.memory_space<vmem>>, %arg11: memref<512xf32, #tpu.memory_space<vmem>>, %arg12: memref<512x512xf32, #tpu.memory_space<vmem>>, %arg13: memref<512xf32, #tpu.memory_space<vmem>>, %arg14: memref<512x512xf32, #tpu.memory_space<vmem>>, %arg15: memref<512xf32, #tpu.memory_space<vmem>>, %arg16: memref<512x512xf32, #tpu.memory_space<vmem>>, %arg17: memref<512xf32, #tpu.memory_space<vmem>>, %arg18: memref<512x64xf32, #tpu.memory_space<vmem>>, %arg19: memref<64xf32, #tpu.memory_space<vmem>>, %arg20: memref<512x64xf32, #tpu.memory_space<vmem>>, %arg21: memref<64xf32, #tpu.memory_space<vmem>>, %arg22: memref<1024x64xf32, #tpu.memory_space<vmem>>, %arg23: memref<1024x64xf32, #tpu.memory_space<vmem>>) attributes {dimension_semantics = [], scalar_prefetch = 0 : i64, scratch_operands = 0 : i64, tpu.core_type = #tpu.core_type<tc>} {
    %get3A = arith.constant 0 : index
    %get3A_0 = arith.constant 0 : index
    %get3A_1 = vector.load %arg0[%get3A, %get3A_0] : memref<1024x128xf32, #tpu.memory_space<vmem>>, vector<1024x128xf32>
    %get3A_2 = arith.constant 0 : index
    %get3A_3 = arith.constant 0 : index
    %get3A_4 = vector.load %arg1[%get3A_2, %get3A_3] : memref<1024x64xf32, #tpu.memory_space<vmem>>, vector<1024x64xf32>
    %slice3A = vector.extract_strided_slice %get3A_1 {offsets = [0, 0], sizes = [1024, 64], strides = [1, 1]} : vector<1024x128xf32> to vector<1024x64xf32>
    %slice3A_5 = vector.extract_strided_slice %get3A_1 {offsets = [0, 64], sizes = [1024, 64], strides = [1, 1]} : vector<1024x128xf32> to vector<1024x64xf32>
    %sub3A = arith.subf %slice3A, %get3A_4 : vector<1024x64xf32>
    %sub3A_6 = arith.subf %slice3A_5, %get3A_4 : vector<1024x64xf32>
    %mul3A = arith.mulf %sub3A, %sub3A : vector<1024x64xf32>
    %mul3A_7 = arith.mulf %sub3A_6, %sub3A_6 : vector<1024x64xf32>
    %sub3A_8 = arith.subf %mul3A, %mul3A_7 : vector<1024x64xf32>
    %broadcast_in_dim3A = arith.constant 1.000000e+00 : f32
    %broadcast_in_dim3A_9 = vector.broadcast %broadcast_in_dim3A : f32 to vector<64x128xf32>
    %dot_general3A = arith.constant dense<0.000000e+00> : vector<1024x128xf32>
    %dot_general3A_10 = tpu.matmul %sub3A_8, %broadcast_in_dim3A_9, %dot_general3A {dimension_numbers = #tpu.dot_dimension_numbers<[1], [0], [0], [1], [0, 0, 1, 1], [], []>, transpose_lhs_hint = false} : vector<1024x64xf32>, vector<64x128xf32>, vector<1024x128xf32> -> vector<1024x128xf32>
    %slice3A_11 = vector.extract_strided_slice %dot_general3A_10 {offsets = [0, 0], sizes = [1024, 1], strides = [1, 1]} : vector<1024x128xf32> to vector<1024x1xf32>
    %le3A = arith.constant 0.000000e+00 : f32
    %le3A_12 = vector.broadcast %le3A : f32 to vector<1024x1xf32>
    %le3A_13 = arith.cmpf ole, %slice3A_11, %le3A_12 : vector<1024x1xf32>
    %broadcast_in_dim3A_14 = vector.shape_cast %le3A_13 : vector<1024x1xi1> to vector<1024x1xi1>
    %broadcast_in_dim3A_15 = vector.broadcast %broadcast_in_dim3A_14 : vector<1024x1xi1> to vector<1024x64xi1>
    %select_n3A = arith.select %broadcast_in_dim3A_15, %slice3A, %slice3A_5 : vector<1024x64xi1>, vector<1024x64xf32>
    %get3A_16 = arith.constant 0 : index
    %get3A_17 = arith.constant 0 : index
    %get3A_18 = vector.load %arg2[%get3A_16, %get3A_17] : memref<64x512xf32, #tpu.memory_space<vmem>>, vector<64x512xf32>
    %dot_general3A_19 = arith.constant dense<0.000000e+00> : vector<1024x512xf32>
    %dot_general3A_20 = tpu.matmul %select_n3A, %get3A_18, %dot_general3A_19 {dimension_numbers = #tpu.dot_dimension_numbers<[1], [0], [0], [1], [0, 0, 1, 1], [], []>, transpose_lhs_hint = false} : vector<1024x64xf32>, vector<64x512xf32>, vector<1024x512xf32> -> vector<1024x512xf32>
    %get3A_21 = arith.constant 0 : index
    %get3A_22 = vector.load %arg3[%get3A_21] : memref<512xf32, #tpu.memory_space<vmem>>, vector<512xf32>
    %broadcast_in_dim3A_23 = vector.shape_cast %get3A_22 : vector<512xf32> to vector<1x512xf32>
    %add3A = vector.broadcast %broadcast_in_dim3A_23 : vector<1x512xf32> to vector<1024x512xf32>
    %add3A_24 = arith.addf %dot_general3A_20, %add3A : vector<1024x512xf32>
    %tanh3A = math.tanh %add3A_24 : vector<1024x512xf32>
    %get3A_25 = arith.constant 0 : index
    %get3A_26 = arith.constant 0 : index
    %get3A_27 = vector.load %arg4[%get3A_25, %get3A_26] : memref<512x512xf32, #tpu.memory_space<vmem>>, vector<512x512xf32>
    %dot_general3A_28 = arith.constant dense<0.000000e+00> : vector<1024x512xf32>
    %dot_general3A_29 = tpu.matmul %tanh3A, %get3A_27, %dot_general3A_28 {dimension_numbers = #tpu.dot_dimension_numbers<[1], [0], [0], [1], [0, 0, 1, 1], [], []>, transpose_lhs_hint = false} : vector<1024x512xf32>, vector<512x512xf32>, vector<1024x512xf32> -> vector<1024x512xf32>
    %get3A_30 = arith.constant 0 : index
    %get3A_31 = vector.load %arg5[%get3A_30] : memref<512xf32, #tpu.memory_space<vmem>>, vector<512xf32>
    %broadcast_in_dim3A_32 = vector.shape_cast %get3A_31 : vector<512xf32> to vector<1x512xf32>
    %add3A_33 = vector.broadcast %broadcast_in_dim3A_32 : vector<1x512xf32> to vector<1024x512xf32>
    %add3A_34 = arith.addf %dot_general3A_29, %add3A_33 : vector<1024x512xf32>
    %tanh3A_35 = math.tanh %add3A_34 : vector<1024x512xf32>
    %get3A_36 = arith.constant 0 : index
    %get3A_37 = arith.constant 0 : index
    %get3A_38 = vector.load %arg10[%get3A_36, %get3A_37] : memref<512x512xf32, #tpu.memory_space<vmem>>, vector<512x512xf32>
    %dot_general3A_39 = arith.constant dense<0.000000e+00> : vector<1024x512xf32>
    %dot_general3A_40 = tpu.matmul %tanh3A_35, %get3A_38, %dot_general3A_39 {dimension_numbers = #tpu.dot_dimension_numbers<[1], [0], [0], [1], [0, 0, 1, 1], [], []>, transpose_lhs_hint = false} : vector<1024x512xf32>, vector<512x512xf32>, vector<1024x512xf32> -> vector<1024x512xf32>
    %get3A_41 = arith.constant 0 : index
    %get3A_42 = vector.load %arg11[%get3A_41] : memref<512xf32, #tpu.memory_space<vmem>>, vector<512xf32>
    %broadcast_in_dim3A_43 = vector.shape_cast %get3A_42 : vector<512xf32> to vector<1x512xf32>
    %add3A_44 = vector.broadcast %broadcast_in_dim3A_43 : vector<1x512xf32> to vector<1024x512xf32>
    %add3A_45 = arith.addf %dot_general3A_40, %add3A_44 : vector<1024x512xf32>
    %tanh3A_46 = math.tanh %add3A_45 : vector<1024x512xf32>
    %get3A_47 = arith.constant 0 : index
    %get3A_48 = arith.constant 0 : index
    %get3A_49 = vector.load %arg12[%get3A_47, %get3A_48] : memref<512x512xf32, #tpu.memory_space<vmem>>, vector<512x512xf32>
    %dot_general3A_50 = arith.constant dense<0.000000e+00> : vector<1024x512xf32>
    %dot_general3A_51 = tpu.matmul %tanh3A_35, %get3A_49, %dot_general3A_50 {dimension_numbers = #tpu.dot_dimension_numbers<[1], [0], [0], [1], [0, 0, 1, 1], [], []>, transpose_lhs_hint = false} : vector<1024x512xf32>, vector<512x512xf32>, vector<1024x512xf32> -> vector<1024x512xf32>
    %get3A_52 = arith.constant 0 : index
    %get3A_53 = vector.load %arg13[%get3A_52] : memref<512xf32, #tpu.memory_space<vmem>>, vector<512xf32>
    %broadcast_in_dim3A_54 = vector.shape_cast %get3A_53 : vector<512xf32> to vector<1x512xf32>
    %add3A_55 = vector.broadcast %broadcast_in_dim3A_54 : vector<1x512xf32> to vector<1024x512xf32>
    %add3A_56 = arith.addf %dot_general3A_51, %add3A_55 : vector<1024x512xf32>
    %tanh3A_57 = math.tanh %add3A_56 : vector<1024x512xf32>
    %add3A_58 = arith.addf %tanh3A_35, %tanh3A_46 : vector<1024x512xf32>
    %get3A_59 = arith.constant 0 : index
    %get3A_60 = arith.constant 0 : index
    %get3A_61 = vector.load %arg6[%get3A_59, %get3A_60] : memref<512x512xf32, #tpu.memory_space<vmem>>, vector<512x512xf32>
    %dot_general3A_62 = arith.constant dense<0.000000e+00> : vector<1024x512xf32>
    %dot_general3A_63 = tpu.matmul %add3A_58, %get3A_61, %dot_general3A_62 {dimension_numbers = #tpu.dot_dimension_numbers<[1], [0], [0], [1], [0, 0, 1, 1], [], []>, transpose_lhs_hint = false} : vector<1024x512xf32>, vector<512x512xf32>, vector<1024x512xf32> -> vector<1024x512xf32>
    %get3A_64 = arith.constant 0 : index
    %get3A_65 = vector.load %arg7[%get3A_64] : memref<512xf32, #tpu.memory_space<vmem>>, vector<512xf32>
    %broadcast_in_dim3A_66 = vector.shape_cast %get3A_65 : vector<512xf32> to vector<1x512xf32>
    %add3A_67 = vector.broadcast %broadcast_in_dim3A_66 : vector<1x512xf32> to vector<1024x512xf32>
    %add3A_68 = arith.addf %dot_general3A_63, %add3A_67 : vector<1024x512xf32>
    %tanh3A_69 = math.tanh %add3A_68 : vector<1024x512xf32>
    %get3A_70 = arith.constant 0 : index
    %get3A_71 = arith.constant 0 : index
    %get3A_72 = vector.load %arg14[%get3A_70, %get3A_71] : memref<512x512xf32, #tpu.memory_space<vmem>>, vector<512x512xf32>
    %dot_general3A_73 = arith.constant dense<0.000000e+00> : vector<1024x512xf32>
    %dot_general3A_74 = tpu.matmul %tanh3A_35, %get3A_72, %dot_general3A_73 {dimension_numbers = #tpu.dot_dimension_numbers<[1], [0], [0], [1], [0, 0, 1, 1], [], []>, transpose_lhs_hint = false} : vector<1024x512xf32>, vector<512x512xf32>, vector<1024x512xf32> -> vector<1024x512xf32>
    %get3A_75 = arith.constant 0 : index
    %get3A_76 = vector.load %arg15[%get3A_75] : memref<512xf32, #tpu.memory_space<vmem>>, vector<512xf32>
    %broadcast_in_dim3A_77 = vector.shape_cast %get3A_76 : vector<512xf32> to vector<1x512xf32>
    %add3A_78 = vector.broadcast %broadcast_in_dim3A_77 : vector<1x512xf32> to vector<1024x512xf32>
    %add3A_79 = arith.addf %dot_general3A_74, %add3A_78 : vector<1024x512xf32>
    %tanh3A_80 = math.tanh %add3A_79 : vector<1024x512xf32>
    %get3A_81 = arith.constant 0 : index
    %get3A_82 = arith.constant 0 : index
    %get3A_83 = vector.load %arg16[%get3A_81, %get3A_82] : memref<512x512xf32, #tpu.memory_space<vmem>>, vector<512x512xf32>
    %dot_general3A_84 = arith.constant dense<0.000000e+00> : vector<1024x512xf32>
    %dot_general3A_85 = tpu.matmul %tanh3A_69, %get3A_83, %dot_general3A_84 {dimension_numbers = #tpu.dot_dimension_numbers<[1], [0], [0], [1], [0, 0, 1, 1], [], []>, transpose_lhs_hint = false} : vector<1024x512xf32>, vector<512x512xf32>, vector<1024x512xf32> -> vector<1024x512xf32>
    %get3A_86 = arith.constant 0 : index
    %get3A_87 = vector.load %arg17[%get3A_86] : memref<512xf32, #tpu.memory_space<vmem>>, vector<512xf32>
    %broadcast_in_dim3A_88 = vector.shape_cast %get3A_87 : vector<512xf32> to vector<1x512xf32>
    %add3A_89 = vector.broadcast %broadcast_in_dim3A_88 : vector<1x512xf32> to vector<1024x512xf32>
    %add3A_90 = arith.addf %dot_general3A_85, %add3A_89 : vector<1024x512xf32>
    %tanh3A_91 = math.tanh %add3A_90 : vector<1024x512xf32>
    %add3A_92 = arith.addf %tanh3A_69, %tanh3A_57 : vector<1024x512xf32>
    %get3A_93 = arith.constant 0 : index
    %get3A_94 = arith.constant 0 : index
    %get3A_95 = vector.load %arg8[%get3A_93, %get3A_94] : memref<512x512xf32, #tpu.memory_space<vmem>>, vector<512x512xf32>
    %dot_general3A_96 = arith.constant dense<0.000000e+00> : vector<1024x512xf32>
    %dot_general3A_97 = tpu.matmul %add3A_92, %get3A_95, %dot_general3A_96 {dimension_numbers = #tpu.dot_dimension_numbers<[1], [0], [0], [1], [0, 0, 1, 1], [], []>, transpose_lhs_hint = false} : vector<1024x512xf32>, vector<512x512xf32>, vector<1024x512xf32> -> vector<1024x512xf32>
    %get3A_98 = arith.constant 0 : index
    %get3A_99 = vector.load %arg9[%get3A_98] : memref<512xf32, #tpu.memory_space<vmem>>, vector<512xf32>
    %broadcast_in_dim3A_100 = vector.shape_cast %get3A_99 : vector<512xf32> to vector<1x512xf32>
    %add3A_101 = vector.broadcast %broadcast_in_dim3A_100 : vector<1x512xf32> to vector<1024x512xf32>
    %add3A_102 = arith.addf %dot_general3A_97, %add3A_101 : vector<1024x512xf32>
    %tanh3A_103 = math.tanh %add3A_102 : vector<1024x512xf32>
    %add3A_104 = arith.addf %tanh3A_80, %tanh3A_91 : vector<1024x512xf32>
    %add3A_105 = arith.addf %add3A_104, %tanh3A_103 : vector<1024x512xf32>
    %get3A_106 = arith.constant 0 : index
    %get3A_107 = arith.constant 0 : index
    %get3A_108 = vector.load %arg18[%get3A_106, %get3A_107] : memref<512x64xf32, #tpu.memory_space<vmem>>, vector<512x64xf32>
    %dot_general3A_109 = arith.constant dense<0.000000e+00> : vector<1024x64xf32>
    %dot_general3A_110 = tpu.matmul %add3A_105, %get3A_108, %dot_general3A_109 {dimension_numbers = #tpu.dot_dimension_numbers<[1], [0], [0], [1], [0, 0, 1, 1], [], []>, transpose_lhs_hint = false} : vector<1024x512xf32>, vector<512x64xf32>, vector<1024x64xf32> -> vector<1024x64xf32>
    %get3A_111 = arith.constant 0 : index
    %get3A_112 = vector.load %arg19[%get3A_111] : memref<64xf32, #tpu.memory_space<vmem>>, vector<64xf32>
    %broadcast_in_dim3A_113 = vector.shape_cast %get3A_112 : vector<64xf32> to vector<1x64xf32>
    %add3A_114 = vector.broadcast %broadcast_in_dim3A_113 : vector<1x64xf32> to vector<1024x64xf32>
    %add3A_115 = arith.addf %dot_general3A_110, %add3A_114 : vector<1024x64xf32>
    %swap3A = arith.constant 0 : index
    %swap3A_116 = arith.constant 0 : index
    %swap3A_117 = vector.load %arg22[%swap3A, %swap3A_116] : memref<1024x64xf32, #tpu.memory_space<vmem>>, vector<1024x64xf32>
    tpu.vector_store %arg22[%swap3A, %swap3A_116], %add3A_115 {strides = array<i32>} : memref<1024x64xf32, #tpu.memory_space<vmem>>, vector<1024x64xf32>,
    %get3A_118 = arith.constant 0 : index
    %get3A_119 = arith.constant 0 : index
    %get3A_120 = vector.load %arg20[%get3A_118, %get3A_119] : memref<512x64xf32, #tpu.memory_space<vmem>>, vector<512x64xf32>
    %dot_general3A_121 = arith.constant dense<0.000000e+00> : vector<1024x64xf32>
    %dot_general3A_122 = tpu.matmul %add3A_105, %get3A_120, %dot_general3A_121 {dimension_numbers = #tpu.dot_dimension_numbers<[1], [0], [0], [1], [0, 0, 1, 1], [], []>, transpose_lhs_hint = false} : vector<1024x512xf32>, vector<512x64xf32>, vector<1024x64xf32> -> vector<1024x64xf32>
    %get3A_123 = arith.constant 0 : index
    %get3A_124 = vector.load %arg21[%get3A_123] : memref<64xf32, #tpu.memory_space<vmem>>, vector<64xf32>
    %broadcast_in_dim3A_125 = vector.shape_cast %get3A_124 : vector<64xf32> to vector<1x64xf32>
    %add3A_126 = vector.broadcast %broadcast_in_dim3A_125 : vector<1x64xf32> to vector<1024x64xf32>
    %add3A_127 = arith.addf %dot_general3A_122, %add3A_126 : vector<1024x64xf32>
    %swap3A_128 = arith.constant 0 : index
    %swap3A_129 = arith.constant 0 : index
    %swap3A_130 = vector.load %arg23[%swap3A_128, %swap3A_129] : memref<1024x64xf32, #tpu.memory_space<vmem>>, vector<1024x64xf32>
    tpu.vector_store %arg23[%swap3A_128, %swap3A_129], %add3A_127 {strides = array<i32>} : memref<1024x64xf32, #tpu.memory_space<vmem>>, vector<1024x64xf32>,
    return
  }
}

</mosaic_0001>

<sc_bundles>
// kernel: kernel.5.cloned.1.call-start
scs
__scs_entry_jumppad:
0x0: {  	(pc) =	sbr.rel $0x88, $3  }
0x1: {  	(tag) =	ssettag $0x0;
	lr =	simm.s32 $0x1  }
0x2: {  	[smem:$0x3F8B] =	sst lr;
	_ =	strace $0xD0000000  }
0x3: {  	_ = 	snop  }
0x4: {  	_ = 	snop  }
0x5: {  	_ = 	snop  }
0x6: {  	_ = 	snop  }
0x7: {  	_ = 	snop  }
__scs_overlays_trampoline_lowered:
0x8: {  	[smem:$0x3F9A] =	sst s0  }
0x9: {  	[smem:$0x3F9B] =	sst s1  }
0xa: {  	[smem:$0x3F9C] =	sst s2  }
0xb: {  	[smem:$0x3F9D] =	sst s3  }
0xc: {  	[smem:$0x3F9E] =	sst s4  }
0xd: {  	[smem:$0x3F9F] =	sst s5  }
0xe: {  	[smem:$0x3FA0] =	sst s6  }
0xf: {  	[smem:$0x3FA1] =	sst s7  }
0x10: {  	[smem:$0x3FA2] =	sst s8  }
0x11: {  	[smem:$0x3FA3] =	sst s9;
	s0 =	simm.s32 @!p0 $0x0  }
0x12: {  	s1 =	sld [smem:$0x3F89];
	s0 =	simm.s32 @p0 $0x1  }
0x13: {  	[smem:$0x3FA4] =	sst s0;
	s0 =	simm.s32 @!p1 $0x0  }
0x14: {  	s2 =	sld [smem:$0x3F88];
	s0 =	simm.s32 @p1 $0x1  }
0x15: {  	[smem:$0x3FA5] =	sst s0;
	s0 =	simm.s32 @!p2 $0x0  }
0x16: {  	s3 =	sld [smem:$0x3FDB];
	s0 =	simm.s32 @p2 $0x1  }
0x17: {  	s4 =	simm.s32 $0x1BF5;
	[smem:$0x3FA7] =	sst s0  }
0x18: {  	s0 =	sld [smem:$0x3F8A];
	_ =	swait.ge [sflag:s4], $0x0  }
0x19: {  	s7 =	sld [smem:$0x3F8B]  }
0x1a: {  	s8 =	sadd.s32 $0xFFFFE003, lr  }
0x1b: {  	s9 =	sadd.s32 $0xFFFFFEF7, lr;
	s5 =	simm.s32 $0xFFFFFFFF;
	p2 =	slt.u32 s8, $0xFFFFF086  }
0x1c: {  	p1 =	slt.u32 s9, $0xF7A;
	s5 =	simm.s32 @!p2 $0x0  }
0x1d: {  	s5 =	simm.s32 @p1 $0x1;
	p0 =	seq.s32 s7, s2  }
0x1e: {  	s7 =	smul.u32 @!p0 $0xF7A, s2;
	p2 =	seq.s32 @!p0 s5, $0x0  }
0x1f: {  	s9 =	smul.u32 $0xF7A, s1;
	s8 =	simm.s32 @!p0 $0x1BF5;
	p2 =	por !p2, p0  }
0x20: {  	[sflag:s8] =	ssyncset.s32 @!p0 $0xFFFFF086;
	s6 =	sadd.s32 @!p0 s3, s7;
	s7 =	simm.s32 @!p0 $0x108  }
0x21: {  	s3 =	sadd.s32 s3, s9;
	s6 =	sadd.s32 @!p0 $0x88, s6;
	s7 =	simm.s32 @p2 $0x1082  }
0x22: {  	[simem:s7], [sflag:s8] =	dma.local @!p0 [hbm:s6], $0xF7A  }
0x23: {  	s9 =	sor.u32 $0xD0000000, s2;
	s6 =	simm.s32 $0x108;
	_ =	swait.ge @!p0 [sflag:s8], $0x0  }
0x24: {  	s3 =	sadd.s32 $0x88, s3;
	s6 =	simm.s32 @!p1 $0x1082;
	[sflag:s4] =	ssyncset.s32 $0xFFFFF086  }
0x25: {  	[simem:s6], [sflag:s4] =	dma.local [hbm:s3], $0xF7A  }
0x26: {  	[smem:$0x3F8B] =	sst s1;
	(tag) =	ssettag s2;
	_ =	strace s9  }
0x27: {  	s1 =	sld [smem:$0x3F9B]  }
0x28: {  	s2 =	sld [smem:$0x3F9C]  }
0x29: {  	s4 =	sld [smem:$0x3F9E]  }
0x2a: {  	p0 =	seq.s32 s5, $0x0;
	s5 =	sld [smem:$0x3F9F]  }
0x2b: {  	s6 =	sld [smem:$0x3FA0]  }
0x2c: {  	s7 =	sld [smem:$0x3FA1]  }
0x2d: {  	s3 =	simm.s32 $0x108;
	s8 =	sld [smem:$0x3FA2]  }
0x2e: {  	s3 =	simm.s32 @!p0 $0x1082;
	s9 =	sld [smem:$0x3FA3]  }
0x2f: {  	lr =	sadd.s32 s0, s3;
	s0 =	sld [smem:$0x3F9A]  }
0x30: {  	s3 =	sld [smem:$0x3F9D]  }
0x31: {  	[smem:$0x3FA6] =	sst s10  }
0x32: {  	s10 =	sld [smem:$0x3FA4];
	_ =	sdelay $0x3  }
0x33: {  	p0 =	seq.s32 s10, $0x1;
	s10 =	sld [smem:$0x3FA6];
	_ =	sdelay $0x3  }
0x34: {  	[smem:$0x3FA6] =	sst s10  }
0x35: {  	s10 =	sld [smem:$0x3FA5];
	_ =	sdelay $0x3  }
0x36: {  	p1 =	seq.s32 s10, $0x1;
	s10 =	sld [smem:$0x3FA6];
	_ =	sdelay $0x3  }
0x37: {  	[smem:$0x3FA6] =	sst s10  }
0x38: {  	s10 =	sld [smem:$0x3FA7]  }
0x39: {  	_ = 	snop;
	(pc) =	sbr.ind lr, $3  }
0x3a: {  	_ = 	snop  }
0x3b: {  	_ = 	snop  }
0x3c: {  	p2 =	seq.s32 s10, $0x1;
	s10 =	sld [smem:$0x3FA6]  }
0x3d: {  	_ =	shalt  }
0x3e: {  	_ =	shalt  }
0x3f: {  	_ =	shalt  }
0x40: {  	_ =	shalt  }
0x41: {  	_ =	shalt  }
0x42: {  	_ =	shalt  }
0x43: {  	_ =	shalt  }
0x44: {  	_ =	shalt  }
0x45: {  	_ =	shalt  }
0x46: {  	_ =	shalt  }
0x47: {  	_ =	shalt  }
0x48: {  	_ =	shalt  }
0x49: {  	_ =	shalt  }
0x4a: {  	_ =	shalt  }
0x4b: {  	_ =	shalt  }
0x4c: {  	_ =	shalt  }
0x4d: {  	_ =	shalt  }
0x4e: {  	_ =	shalt  }
0x4f: {  	_ =	shalt  }
0x50: {  	_ =	shalt  }
0x51: {  	_ =	shalt  }
0x52: {  	_ =	shalt  }
0x53: {  	_ =	shalt  }
0x54: {  	_ =	shalt  }
0x55: {  	_ =	shalt  }
0x56: {  	_ =	shalt  }
0x57: {  	_ =	shalt  }
0x58: {  	_ =	shalt  }
0x59: {  	_ =	shalt  }
0x5a: {  	_ =	shalt  }
0x5b: {  	_ =	shalt  }
0x5c: {  	_ =	shalt  }
0x5d: {  	_ =	shalt  }
0x5e: {  	_ =	shalt  }
0x5f: {  	_ =	shalt  }
0x60: {  	_ =	shalt  }
0x61: {  	_ =	shalt  }
0x62: {  	_ =	shalt  }
0x63: {  	_ =	shalt  }
0x64: {  	_ =	shalt  }
0x65: {  	_ =	shalt  }
0x66: {  	_ =	shalt  }
0x67: {  	_ =	shalt  }
0x68: {  	_ =	shalt  }
0x69: {  	_ =	shalt  }
0x6a: {  	_ =	shalt  }
0x6b: {  	_ =	shalt  }
0x6c: {  	_ =	shalt  }
0x6d: {  	_ =	shalt  }
0x6e: {  	_ =	shalt  }
0x6f: {  	_ =	shalt  }
0x70: {  	_ =	shalt  }
0x71: {  	_ =	shalt  }
0x72: {  	_ =	shalt  }
0x73: {  	_ =	shalt  }
0x74: {  	_ =	shalt  }
0x75: {  	_ =	shalt  }
0x76: {  	_ =	shalt  }
0x77: {  	_ =	shalt  }
0x78: {  	_ =	shalt  }
0x79: {  	_ =	shalt  }
0x7a: {  	_ =	shalt  }
0x7b: {  	_ =	shalt  }
0x7c: {  	_ =	shalt  }
0x7d: {  	_ =	shalt  }
0x7e: {  	_ =	shalt  }
0x7f: {  	_ =	shalt  }
0x80: {  	_ =	shalt  }
0x81: {  	_ =	shalt  }
0x82: {  	_ =	shalt  }
0x83: {  	_ =	shalt  }
0x84: {  	_ =	shalt  }
0x85: {  	_ =	shalt  }
0x86: {  	_ =	shalt  }
0x87: {  	_ =	shalt  }
.Lfunc_end0:
.L_simem_size_0:
called_computation_lowered:
.L_overlay_start_0:
0x88: {  	s2 =	sld [smem:$0x3FD9]  }
0x89: {  	s3 =	sld [smem:$0x3FFE];
	_ =	sdelay $0x1  }
0x8a: {  	s1 =	srdreg.scid  }
0x8b: {  	s0 =	sand.u32 $0x1, s1  }
0x8c: {  	s14 =	sshll.u32 s0, $0xA;
	s2 =	sadd.s32 s3, s2  }
0x8d: {  	s2 =	sadd.s32 s2, s14  }
0x8e: {  	[smem:$0x3FB2] =	sst s2  }
0x8f: {  	_ = 	snop  }
0x90: {  	s2 =	sld [smem:$0x3FD0];
	_ =	sdelay $0x2  }
0x91: {  	s15 =	simm.s32 $0xA;
	s4 =	simm.s32 $0x10  }
0x92: {  	[smem:s4], [sflag:s15] =	dma.local [hbm:s2], $0x1  }
0x93: {  	_ =	swait.eq [sflag:s15], $0x1  }
0x94: {  	[sflag:s15] =	ssyncset.done $0x0  }
0x95: {  	[sflag:s15] =	ssyncadd.s32 $0xFFFFFFFF  }
0x96: {  	s16 =	sld [smem:$0x11];
	(tm) =	ssettm $0x1  }
0x97: {  	s17 =	sld [smem:$0x3FFB];
	_ =	sdelay $0x3  }
0x98: {  	_ =	strace s17  }
0x99: {  	s3 =	sld [smem:$0x3FFC];
	_ =	sdelay $0x3  }
0x9a: {  	_ =	strace s3  }
0x9b: {  	s3 =	sld [smem:$0x3FFD];
	_ =	sdelay $0x3  }
0x9c: {  	_ =	strace s3  }
0x9d: {  	_ =	strace $0x8FFFFFFF  }
0x9e: {  	s18 =	sld [smem:$0x3FDB];
	_ =	sdelay $0x1  }
0x9f: {  	s19 =	simm.s32 $_scs_section_size  }
0xa0: {  	s5 =	simm.s32 $_size__tile_overlayer_lowered;
	s6 =	simm.s32 $_tile_overlayer_lowered  }
0xa1: {  	s22 =	simm.s32 $0x1BFF;
	s21 =	sshll.u32 s6, $0x1;
	s3 =	sadd.s32 s19, s18  }
0xa2: {  	s7 =	simm.s32 $0x0;
	s20 =	sshll.u32 s5, $0x1;
	s5 =	sadd.s32 s21, s3  }
0xa3: {  	[timem:s7], [sflag:s22] =	dma.local [hbm:s5], s20  }
0xa4: {  	_ =	swait.ge [sflag:s22], s20  }
0xa5: {  	s4 =	ssub.s32 $0x0, s20;
	[sflag:s22] =	ssyncset.done $0x0  }
0xa6: {  	[sflag:s22] =	ssyncadd.s32 s4;
	_ =	sdelay $0x1  }
0xa7: {  	s23 =	simm.s32 $0x1B8B  }
0xa8: {  	_ =	swait.ge [sflag:s23], $0x1  }
0xa9: {  	[sflag:s23] =	ssyncset.done $0x0  }
0xaa: {  	s25 =	simm.s32 $0x1B8E;
	s24 =	sld [smem:$0x3FFE];
	[sflag:s23] =	ssyncadd.s32 $0xFFFFFFFF  }
0xab: {  	s26 =	simm.s32 $execute0_lowered;
	[smem:$0x3FD2] =	sst s25  }
0xac: {  	s5 =	sshll.u32 s26, $0x1;
	_ =	strace $0x80000046;
	[dreg:$0x1] =	wrdreg $0xFFFFFFFF  }
0xad: {  	s28 =	simm.s32 $_size_execute0_lowered;
	s3 =	sadd.s32 s3, s5;
	[dreg:$0x0] =	wrdreg $0x0  }
0xae: {  	s5 =	sshll.u32 s28, $0x1;
	[dreg:$0x2] =	wrdreg s3  }
0xaf: {  	[dreg:$0x3] =	wrdreg s5  }
0xb0: {  	[dreg:$0x4] =	wrdreg $0xC0  }
0xb1: {  	_ =	task [dreg:s7], $0x5FFFF  }
0xb2: {  	[dreg:$0x1] =	wrdreg $0xFFFFFFFF  }
0xb3: {  	[dreg:$0x0] =	wrdreg $0x60  }
0xb4: {  	[dreg:$0x2] =	wrdreg s24  }
0xb5: {  	[dreg:$0x3] =	wrdreg s16  }
0xb6: {  	[dreg:$0x4] =	wrdreg $0x9  }
0xb7: {  	_ =	task.clear_ibuf [dreg:s7], $0x5FFFF;
	_ =	strace $0x90000046  }
0xb8: {  	s29 =	simm.s32 $0x9;
	_ =	strace $0x80000048  }
0xb9: {  	_ =	swait.ge [sflag:s29], $0x1  }
0xba: {  	[sflag:s29] =	ssyncadd.s32 $0xFFFFFFFF  }
0xbb: {  	_ =	strace $0x90000048  }
0xbc: {  	_ =	sfence  }
0xbd: {  	s30 =	sld [smem:$0x0];
	_ =	sdelay $0x2  }
0xbe: {  	s31 =	sshll.u32 s1, $0xD;
	s1 =	sshrl.u32 s1, $0x2  }
0xbf: {  	s3 =	sand.u32 $0x4000, s31;
	s1 =	sadd.s32 s1, s30  }
0xc0: {  	s0 =	sor.u32 s3, s0;
	s1 =	sshll.u32 s1, $0x11  }
0xc1: {  	s0 =	sor.u32 s1, s0  }
0xc2: {  	s0 =	sadd.s32 $0x8F2B, s0  }
0xc3: {  	[sflag:s0] =	ssyncadd.remote.s32 $0x1  }
0xc4: {  	_ =	sfence.sel $0xFFFF  }
0xc5: {  	[dreg:$0x0] =	wrdreg $0xFFFFFFFF;
	(pc) =	sbr.abs _section_cstart, $3  }
0xc6: {  	[dreg:$0x1] =	wrdreg $0xFFFFFFFF  }
0xc7: {  	_ =	task.clear_ibuf [dreg:s7], $0x2FFFF;
	_ =	strace $0x9FFFFFFF  }
0xc8: {  	(tm) =	ssettm $0x7FFFFFFF  }
0xc9: {  	_ =	shalt  }
tec
execute0_lowered:
.L_overlay_start_1:
0x0: {  	(tag) =	ssettag $0x1  }
0x1: {  	s1 =	srdreg.scid;
	s9 =	rddreg [dreg:$0x0]  }
0x2: {  	s0 =	stileid.u32;
	s3 =	rddreg [dreg:$0x1]  }
0x3: {  	s2 =	simm.s32 $0x0;
	s7 =	simm.s32 $0x80;
	s6 =	sand.u32 $0x1, s1  }
0x4: {  	s4 =	sshll.u32 s0, $0x6;
	s1 =	rddreg [dreg:$0x2];
	s5 =	sshll.u32 s6, $0x5  }
0x5: {  	s8 =	simm.s32 $0x1;
	[smem:$0x7FF] =	sst s2;
	s10 =	sor.u32 s5, s4  }
0x6: {  	_ =	strace $0x80000047;
	s11 =	ssub.s32 $0x2, s6;
	s4 =	sshrl.u32 s10, $0x3  }
0x7: {  	s6 =	simm.s32 $0x20;
	s4 =	sadd.s32 s3, s4;
	s3 =	simm.s32 $0x2  }
0x8: {  	[tilespmem:s2], [sflag:$0x2] =	stream.linear.gather [hbm4b:s4+s2], $0x20, $0x38;
	[tilespmem:$0x1080] =	vst v63  }
0x9: {  	s5 =	sadd.s32 $0x189E00, s9;
	s12 =	sshrl.u32 s11, $0x1;
	_ =	swait.ge [sflag:s3], $0x20  }
0xa: {  	s10 =	sshll.u32 s10, $0x4;
	s31 =	ssub.s32 s11, s12;
	[sflag:s3] =	ssyncset.done $0x0  }
0xb: {  	s9 =	sadd.s32 s10, s9;
	s10 =	smax.u32 s31, $0x1;
	[sflag:s3] =	ssyncadd.s32 $0xFFFFFFE0  }
0xc: {  	[tilespmem:s7], [sflag:$0x1] =	stream.indirect.gather [hbm4b:s5+s6], $0x80, s2, s6, $0xb8;
	[tilespmem:$0x1080] =	vst v63  }
0xd: {  	p0 =	sne.s32 s10, $0x1;
	_ =	swait.ge [sflag:s8], $0x1000  }
.Ltmp0:
0xe: {  	[sflag:s8] =	ssyncset.done $0x0;
	(pc) =	sbr.rel @!p0 .LBB2_2-.Ltmp0, $4  }
0xf: {  	s9 =	sadd.s32 $0x3400, s9;
	[sflag:s8] =	ssyncadd.s32 $0xFFFFF000  }
0x10: {  	[hbm4b:s9+s2] =	stream.linear.scatter [tilespmem:s7], [sflag:$0x2], $0x1000, $0x38;
	[tilespmem:$0x1080] =	vst v63  }
0x11: {  	_ =	swait.ge [sflag:s3], $0x1000  }
0x12: {  	s10 =	sadd.s32 $0xFFFFFFFF, s10;
	[sflag:s3] =	ssyncset.done $0x0  }
.LBB2_1:
0x13: {  	p0 =	sne.s32 s10, $0x1;
	s10 =	sadd.s32 $0xFFFFFFFF, s10;
	[sflag:s3] =	ssyncadd.s32 $0xFFFFF000  }
0x14: {  	[tilespmem:s2], [sflag:$0x2] =	stream.linear.gather [hbm4b:s4+s2], $0x20, $0x38;
	[tilespmem:$0x1080] =	vst v63  }
0x15: {  	_ =	swait.ge [sflag:s3], $0x20  }
0x16: {  	[sflag:s3] =	ssyncset.done $0x0  }
0x17: {  	[sflag:s3] =	ssyncadd.s32 $0xFFFFFFE0  }
0x18: {  	[tilespmem:s7], [sflag:$0x1] =	stream.indirect.gather [hbm4b:s5+s6], $0x80, s2, s6, $0xb8;
	[tilespmem:$0x1080] =	vst v63  }
0x19: {  	_ =	swait.ge [sflag:s8], $0x1000  }
.Ltmp1:
0x1a: {  	[sflag:s8] =	ssyncset.done $0x0;
	(pc) =	sbr.rel @p0 .LBB2_1-.Ltmp1, $4  }
0x1b: {  	[sflag:s8] =	ssyncadd.s32 $0xFFFFF000  }
0x1c: {  	[hbm4b:s9+s2] =	stream.linear.scatter [tilespmem:s7], [sflag:$0x2], $0x1000, $0x38;
	[tilespmem:$0x1080] =	vst v63  }
0x1d: {  	_ =	swait.ge [sflag:s3], $0x1000  }
0x1e: {  	[sflag:s3] =	ssyncset.done $0x0  }
.LBB2_2:
0x1f: {  	[sflag:s3] =	ssyncadd.s32 $0xFFFFF000  }
0x20: {  	_ =	sfence.sel $0x180000  }
0x21: {  	[bflag:$0x0] =	sbarrier.arrive $0xFFFF  }
0x22: {  	p0 =	sne.s32 s0, $0x0;
	_ =	strace $0x90000047  }
0x23: {  	s0 =	sadd.s32 @!p0 $0x100000, s1;
	[bflag:$0x2] =	sbarrier.arrive $0xFFFF  }
0x24: {  	[sflag:s0] =	ssyncadd.tile.s32 @!p0 $0x1;
	_ =	shalt  }
.Lfunc_end2:
_tile_overlayer_lowered:
.L_overlay_start_2:
0x25: {  	(tag) =	ssettag $0x2  }
0x26: {  	s0 =	rddreg [dreg:$0x0];
	s2 =	stileid.u32  }
0x27: {  	s1 =	rddreg [dreg:$0x1];
	p0 =	sne.s32 s2, $0x0  }
0x28: {  	s3 =	rddreg [dreg:$0x2];
	[bflag:$0x3] =	sbarrier.arrive $0xFFFF;
	s2 =	simm.s32 @!p0 $0x1C02  }
0x29: {  	[timem:s3], [sflag:s2] =	dma.local @!p0 [hbm:s0], s1  }
0x2a: {  	s0 =	simm.s32 @!p0 $0x2  }
0x2b: {  	_ =	swait.ge @!p0 [sflag:s0], s1  }
0x2c: {  	s1 =	ssub.s32 @!p0 $0x0, s1;
	[sflag:s0] =	ssyncset.done @!p0 $0x0  }
0x2d: {  	[sflag:s0] =	ssyncadd.s32 @!p0 s1  }
0x2e: {  	[bflag:$0x3] =	sbarrier.arrive $0xFFFF  }
0x2f: {  	_ =	shalt  }

</sc_bundles>
